<compile_context>
chip_gen: v7x
topology: tpu7x:2x2x1
jax: 0.10.2.dev20260603
libtpu: 0.0.44.dev20260713+nightly
codegen_flags: <defaults>
</compile_context>

<pallas_src>
import functools

import jax
import jax.numpy as jnp
from jax import lax
from jax.experimental import pallas as pl
from jax.experimental.pallas import tpu as pltpu
from jax.experimental.pallas import tpu_sc as plsc

_BATCH = 16384
_DIM = 1024
_NC = 2
_NS = 16
_NW = _NC * _NS
_BPW = _BATCH // _NW
_CHUNK = 32
_NCHUNK = _BPW // _CHUNK
_NBUF = 2
_NGRP = _NCHUNK // _NBUF


def _make_sc_gather():
    mesh = plsc.VectorSubcoreMesh(core_axis_name="c", subcore_axis_name="s")

    @functools.partial(
        pl.kernel,
        mesh=mesh,
        out_type=jax.ShapeDtypeStruct((_BATCH, _DIM), jnp.float32),
        scratch_types=[
            pltpu.VMEM((_BPW,), jnp.int32),
            pltpu.VMEM((_NBUF, _CHUNK, _DIM), jnp.float32),
            *([pltpu.SemaphoreType.DMA] * _NBUF),
            *([pltpu.SemaphoreType.DMA] * _NBUF),
        ],
    )
    def body(pos_hbm, table_hbm, out_hbm, idx_v, rows_v, *sems):
        gsem = sems[:_NBUF]
        ssem = sems[_NBUF:]
        wid = lax.axis_index("s") * _NC + lax.axis_index("c")
        base = wid * _BPW
        pltpu.sync_copy(pos_hbm.at[pl.ds(base, _BPW)], idx_v)

        def start_gather(t, b):
            pltpu.async_copy(
                table_hbm.at[idx_v.at[pl.ds(t * _CHUNK, _CHUNK)]],
                rows_v.at[b], gsem[b])

        def wait_gather(b):
            pltpu.make_async_copy(
                table_hbm.at[idx_v.at[pl.ds(0, _CHUNK)]],
                rows_v.at[b], gsem[b]).wait()

        def start_store(t, b):
            pltpu.async_copy(
                rows_v.at[b],
                out_hbm.at[pl.ds(base + t * _CHUNK, _CHUNK)], ssem[b])

        def wait_store(b):
            pltpu.make_async_copy(
                rows_v.at[b], out_hbm.at[pl.ds(0, _CHUNK)], ssem[b]).wait()

        start_gather(0, 0)
        start_gather(1, 1)
        wait_gather(0)
        start_store(0, 0)

        def grp(m, _):
            t0 = 2 * m
            wait_store(0)
            start_gather(t0, 0)
            wait_gather(1)
            start_store(t0 - 1, 1)
            wait_store(1)
            start_gather(t0 + 1, 1)
            wait_gather(0)
            start_store(t0, 0)
            return _

        lax.fori_loop(1, _NGRP, grp, 0)

        wait_gather(1)
        start_store(_NCHUNK - 1, 1)
        wait_store(0)
        wait_store(1)

    return body


_sc_gather = _make_sc_gather()


@jax.jit
def kernel(pos, table):
    return _sc_gather(pos.astype(jnp.int32), table)

# --- scband reference (transcript-rebuilt; emitter-appended) ---
"""Pipeline reference for scband-query-pos-embed-73280732004487 (READ-ONLY COPY).

The authoritative reference and input builder live on the scoring server;
editing this copy changes nothing except your own understanding.
"""

import jax, jax.numpy as jnp
import numpy as np

MAX_LEN = 8192
COND_DIM = 1024
BATCH = 16384

def setup_inputs(seed: int = 0) -> dict:
    key = jax.random.key(seed)
    k_pos, k_tab = jax.random.split(key)
    pos = jax.random.randint(k_pos, (BATCH,), 0, MAX_LEN, dtype=jnp.int64 if jax.config.jax_enable_x64 else jnp.int32)
    table = jax.random.normal(k_tab, (MAX_LEN, COND_DIM), dtype=jnp.float32) * 0.02
    return {"pos": pos, "table": table}

def reference(pos, table):
    # nn.Embedding forward: row gather from the learned table
    return jnp.take(table, pos, axis=0)

if __name__ == "__main__":
    import jax
    _d = setup_inputs()
    print(jax.jit(kernel)(*tuple(_d.values())))

</pallas_src>

<mosaic_0001>
#map = affine_map<(d0, d1) -> (0)>
#map1 = affine_map<(d0, d1) -> (0, 0)>
module attributes {stable_mosaic.version = 14 : i64} {
  func.func @body(%arg0: i32, %arg1: i32, %arg2: memref<16384xi32, #tpu.memory_space<hbm>>, %arg3: memref<8192x1024xf32, #tpu.memory_space<hbm>>, %arg4: memref<16384x1024xf32, #tpu.memory_space<hbm>>, %arg5: memref<512xi32, #tpu.memory_space<vmem>>, %arg6: memref<2x32x1024xf32, #tpu.memory_space<vmem>>, %arg7: memref<!tpu.dma_semaphore, #tpu.memory_space<semaphore_mem>>, %arg8: memref<!tpu.dma_semaphore, #tpu.memory_space<semaphore_mem>>, %arg9: memref<!tpu.dma_semaphore, #tpu.memory_space<semaphore_mem>>, %arg10: memref<!tpu.dma_semaphore, #tpu.memory_space<semaphore_mem>>) attributes {dimension_semantics = [#tpu.dimension_semantics<core_parallel>, #tpu.dimension_semantics<subcore_parallel>], iteration_bounds = array<i64: 2, 16>, scalar_prefetch = 0 : i64, scratch_operands = 6 : i64, tpu.core_type = #tpu.core_type<sc_vector_subcore>, window_params = [{transform_indices = #map}, {transform_indices = #map1}, {transform_indices = #map1}]} {
    %mul3A = arith.constant 2 : i32
    %mul3A_0 = arith.muli %arg1, %mul3A : i32
    %add3A = arith.addi %mul3A_0, %arg0 : i32
    %mul3A_1 = arith.constant 512 : i32
    %mul3A_2 = arith.muli %add3A, %mul3A_1 : i32
    "tpu.region"() ({
      %run_scoped3A = tpu.sem_alloc : memref<!tpu.dma_semaphore, #tpu.memory_space<semaphore_mem>>
      %dma_start3A_106 = tpu.memref_slice %arg2[%mul3A_2] : memref<16384xi32, #tpu.memory_space<hbm>> -> memref<512xi32, #tpu.memory_space<hbm>>
      %dma_start3A_107 = tpu.memref_slice %arg2[%mul3A_2] : memref<16384xi32, #tpu.memory_space<hbm>> -> memref<512xi32, #tpu.memory_space<hbm>>
      tpu.enqueue_dma source(%dma_start3A_107 : memref<512xi32, #tpu.memory_space<hbm>>) target(%arg5 : memref<512xi32, #tpu.memory_space<vmem>>) target_semaphore(%run_scoped3A : memref<!tpu.dma_semaphore, #tpu.memory_space<semaphore_mem>>)
      %dma_wait3A_108 = tpu.memref_slice %arg2[%mul3A_2] : memref<16384xi32, #tpu.memory_space<hbm>> -> memref<512xi32, #tpu.memory_space<hbm>>
      %dma_wait3A_109 = tpu.memref_slice %arg2[%mul3A_2] : memref<16384xi32, #tpu.memory_space<hbm>> -> memref<512xi32, #tpu.memory_space<hbm>>
      tpu.wait_dma2 semaphore(%run_scoped3A : memref<!tpu.dma_semaphore, #tpu.memory_space<semaphore_mem>>) src(%dma_wait3A_109 : memref<512xi32, #tpu.memory_space<hbm>>) dst(%arg5 : memref<512xi32, #tpu.memory_space<vmem>>)
      tpu.yield
    }) : () -> ()
    %dma_start3A = arith.constant 0 : i32
    %dma_start3A_3 = arith.constant 0 : i32
    %dma_start3A_4 = arith.constant 0 : i32
    %dma_start3A_5 = tpu.memref_slice %arg6[%dma_start3A, %dma_start3A_3, %dma_start3A_4] : memref<2x32x1024xf32, #tpu.memory_space<vmem>> -> memref<1x32x1024xf32, #tpu.memory_space<vmem>>
    %dma_start3A_6 = tpu.memref_squeeze %dma_start3A_5 : memref<1x32x1024xf32, #tpu.memory_space<vmem>> -> memref<32x1024xf32, #tpu.memory_space<vmem>>
    %dma_start3A_7 = arith.constant 0 : i32
    %dma_start3A_8 = tpu.memref_slice %arg5[%dma_start3A_7] : memref<512xi32, #tpu.memory_space<vmem>> -> memref<32xi32, #tpu.memory_space<vmem>>
    %dma_start3A_9 = arith.constant 0 : i32
    %dma_start3A_10 = arith.constant 0 : i32
    %dma_start3A_11 = tpu.memref_slice %arg3[%dma_start3A_9, %dma_start3A_10] : memref<8192x1024xf32, #tpu.memory_space<hbm>> -> memref<8192x1024xf32, #tpu.memory_space<hbm>>
    tpu.enqueue_indirect_dma source(%dma_start3A_11 : memref<8192x1024xf32, #tpu.memory_space<hbm>>) target(%dma_start3A_6 : memref<32x1024xf32, #tpu.memory_space<vmem>>) offsets(%dma_start3A_8 : memref<32xi32, #tpu.memory_space<vmem>>) semaphore(%arg7 : memref<!tpu.dma_semaphore, #tpu.memory_space<semaphore_mem>>)
    %dma_start3A_12 = arith.constant 1 : i32
    %dma_start3A_13 = arith.constant 0 : i32
    %dma_start3A_14 = arith.constant 0 : i32
    %dma_start3A_15 = tpu.memref_slice %arg6[%dma_start3A_12, %dma_start3A_13, %dma_start3A_14] : memref<2x32x1024xf32, #tpu.memory_space<vmem>> -> memref<1x32x1024xf32, #tpu.memory_space<vmem>>
    %dma_start3A_16 = tpu.memref_squeeze %dma_start3A_15 : memref<1x32x1024xf32, #tpu.memory_space<vmem>> -> memref<32x1024xf32, #tpu.memory_space<vmem>>
    %dma_start3A_17 = arith.constant 32 : i32
    %dma_start3A_18 = tpu.memref_slice %arg5[%dma_start3A_17] : memref<512xi32, #tpu.memory_space<vmem>> -> memref<32xi32, #tpu.memory_space<vmem>>
    %dma_start3A_19 = arith.constant 0 : i32
    %dma_start3A_20 = arith.constant 0 : i32
    %dma_start3A_21 = tpu.memref_slice %arg3[%dma_start3A_19, %dma_start3A_20] : memref<8192x1024xf32, #tpu.memory_space<hbm>> -> memref<8192x1024xf32, #tpu.memory_space<hbm>>
    tpu.enqueue_indirect_dma source(%dma_start3A_21 : memref<8192x1024xf32, #tpu.memory_space<hbm>>) target(%dma_start3A_16 : memref<32x1024xf32, #tpu.memory_space<vmem>>) offsets(%dma_start3A_18 : memref<32xi32, #tpu.memory_space<vmem>>) semaphore(%arg8 : memref<!tpu.dma_semaphore, #tpu.memory_space<semaphore_mem>>)
    %dma_wait3A = arith.constant 0 : i32
    %dma_wait3A_22 = arith.constant 0 : i32
    %dma_wait3A_23 = arith.constant 0 : i32
    %dma_wait3A_24 = tpu.memref_slice %arg6[%dma_wait3A, %dma_wait3A_22, %dma_wait3A_23] : memref<2x32x1024xf32, #tpu.memory_space<vmem>> -> memref<1x32x1024xf32, #tpu.memory_space<vmem>>
    %dma_wait3A_25 = tpu.memref_squeeze %dma_wait3A_24 : memref<1x32x1024xf32, #tpu.memory_space<vmem>> -> memref<32x1024xf32, #tpu.memory_space<vmem>>
    %dma_wait3A_26 = arith.constant 0 : i32
    %dma_wait3A_27 = tpu.memref_slice %arg5[%dma_wait3A_26] : memref<512xi32, #tpu.memory_space<vmem>> -> memref<32xi32, #tpu.memory_space<vmem>>
    %dma_wait3A_28 = arith.constant 0 : i32
    %dma_wait3A_29 = arith.constant 0 : i32
    %dma_wait3A_30 = tpu.memref_slice %arg3[%dma_wait3A_28, %dma_wait3A_29] : memref<8192x1024xf32, #tpu.memory_space<hbm>> -> memref<8192x1024xf32, #tpu.memory_space<hbm>>
    tpu.wait_indirect_dma semaphore(%arg7 : memref<!tpu.dma_semaphore, #tpu.memory_space<semaphore_mem>>) src(%dma_wait3A_30 : memref<8192x1024xf32, #tpu.memory_space<hbm>>) dst(%dma_wait3A_25 : memref<32x1024xf32, #tpu.memory_space<vmem>>)
    %add3A_31 = arith.constant 0 : i32
    %add3A_32 = arith.addi %mul3A_2, %add3A_31 : i32
    %dma_start3A_33 = arith.constant 0 : i32
    %dma_start3A_34 = arith.constant 0 : i32
    %dma_start3A_35 = arith.constant 0 : i32
    %dma_start3A_36 = tpu.memref_slice %arg6[%dma_start3A_33, %dma_start3A_34, %dma_start3A_35] : memref<2x32x1024xf32, #tpu.memory_space<vmem>> -> memref<1x32x1024xf32, #tpu.memory_space<vmem>>
    %dma_start3A_37 = tpu.memref_squeeze %dma_start3A_36 : memref<1x32x1024xf32, #tpu.memory_space<vmem>> -> memref<32x1024xf32, #tpu.memory_space<vmem>>
    %dma_start3A_38 = arith.constant 0 : i32
    %dma_start3A_39 = tpu.memref_slice %arg4[%add3A_32, %dma_start3A_38] : memref<16384x1024xf32, #tpu.memory_space<hbm>> -> memref<32x1024xf32, #tpu.memory_space<hbm>>
    %dma_start3A_40 = arith.constant 0 : i32
    %dma_start3A_41 = tpu.memref_slice %arg4[%add3A_32, %dma_start3A_40] : memref<16384x1024xf32, #tpu.memory_space<hbm>> -> memref<32x1024xf32, #tpu.memory_space<hbm>>
    %dma_start3A_42 = arith.constant 0 : i32
    %dma_start3A_43 = arith.constant 0 : i32
    %dma_start3A_44 = tpu.memref_slice %arg6[%dma_start3A_33, %dma_start3A_42, %dma_start3A_43] : memref<2x32x1024xf32, #tpu.memory_space<vmem>> -> memref<1x32x1024xf32, #tpu.memory_space<vmem>>
    %dma_start3A_45 = tpu.memref_squeeze %dma_start3A_44 : memref<1x32x1024xf32, #tpu.memory_space<vmem>> -> memref<32x1024xf32, #tpu.memory_space<vmem>>
    tpu.enqueue_dma source(%dma_start3A_45 : memref<32x1024xf32, #tpu.memory_space<vmem>>) target(%dma_start3A_41 : memref<32x1024xf32, #tpu.memory_space<hbm>>) target_semaphore(%arg9 : memref<!tpu.dma_semaphore, #tpu.memory_space<semaphore_mem>>)
    %scan3A = arith.constant 0 : i32
    %scan3A_46 = arith.constant 1 : i32
    %scan3A_47 = arith.constant 7 : i32
    %scan3A_48 = arith.addi %scan3A_46, %scan3A_47 : i32
    %scan3A_49 = arith.constant 1 : i32
    scf.for %scan3A_106 = %scan3A_46 to %scan3A_48 step %scan3A_49  : i32 {
      %mul3A_107 = arith.constant 2 : i32
      %mul3A_108 = arith.muli %mul3A_107, %scan3A_106 : i32
      %dma_wait3A_109 = arith.constant 0 : i32
      %dma_wait3A_110 = arith.constant 0 : i32
      %dma_wait3A_111 = arith.constant 0 : i32
      %dma_wait3A_112 = tpu.memref_slice %arg6[%dma_wait3A_109, %dma_wait3A_110, %dma_wait3A_111] : memref<2x32x1024xf32, #tpu.memory_space<vmem>> -> memref<1x32x1024xf32, #tpu.memory_space<vmem>>
      %dma_wait3A_113 = tpu.memref_squeeze %dma_wait3A_112 : memref<1x32x1024xf32, #tpu.memory_space<vmem>> -> memref<32x1024xf32, #tpu.memory_space<vmem>>
      %dma_wait3A_114 = arith.constant 0 : i32
      %dma_wait3A_115 = arith.constant 0 : i32
      %dma_wait3A_116 = tpu.memref_slice %arg4[%dma_wait3A_114, %dma_wait3A_115] : memref<16384x1024xf32, #tpu.memory_space<hbm>> -> memref<32x1024xf32, #tpu.memory_space<hbm>>
      %dma_wait3A_117 = arith.constant 0 : i32
      %dma_wait3A_118 = arith.constant 0 : i32
      %dma_wait3A_119 = tpu.memref_slice %arg4[%dma_wait3A_117, %dma_wait3A_118] : memref<16384x1024xf32, #tpu.memory_space<hbm>> -> memref<32x1024xf32, #tpu.memory_space<hbm>>
      %dma_wait3A_120 = arith.constant 0 : i32
      %dma_wait3A_121 = arith.constant 0 : i32
      %dma_wait3A_122 = tpu.memref_slice %arg6[%dma_wait3A_109, %dma_wait3A_120, %dma_wait3A_121] : memref<2x32x1024xf32, #tpu.memory_space<vmem>> -> memref<1x32x1024xf32, #tpu.memory_space<vmem>>
      %dma_wait3A_123 = tpu.memref_squeeze %dma_wait3A_122 : memref<1x32x1024xf32, #tpu.memory_space<vmem>> -> memref<32x1024xf32, #tpu.memory_space<vmem>>
      tpu.wait_dma2 semaphore(%arg9 : memref<!tpu.dma_semaphore, #tpu.memory_space<semaphore_mem>>) src(%dma_wait3A_123 : memref<32x1024xf32, #tpu.memory_space<vmem>>) dst(%dma_wait3A_119 : memref<32x1024xf32, #tpu.memory_space<hbm>>)
      %mul3A_124 = arith.constant 32 : i32
      %mul3A_125 = arith.muli %mul3A_108, %mul3A_124 : i32
      %dma_start3A_126 = arith.constant 0 : i32
      %dma_start3A_127 = arith.constant 0 : i32
      %dma_start3A_128 = arith.constant 0 : i32
      %dma_start3A_129 = tpu.memref_slice %arg6[%dma_start3A_126, %dma_start3A_127, %dma_start3A_128] : memref<2x32x1024xf32, #tpu.memory_space<vmem>> -> memref<1x32x1024xf32, #tpu.memory_space<vmem>>
      %dma_start3A_130 = tpu.memref_squeeze %dma_start3A_129 : memref<1x32x1024xf32, #tpu.memory_space<vmem>> -> memref<32x1024xf32, #tpu.memory_space<vmem>>
      %dma_start3A_131 = tpu.memref_slice %arg5[%mul3A_125] : memref<512xi32, #tpu.memory_space<vmem>> -> memref<32xi32, #tpu.memory_space<vmem>>
      %dma_start3A_132 = arith.constant 0 : i32
      %dma_start3A_133 = arith.constant 0 : i32
      %dma_start3A_134 = tpu.memref_slice %arg3[%dma_start3A_132, %dma_start3A_133] : memref<8192x1024xf32, #tpu.memory_space<hbm>> -> memref<8192x1024xf32, #tpu.memory_space<hbm>>
      tpu.enqueue_indirect_dma source(%dma_start3A_134 : memref<8192x1024xf32, #tpu.memory_space<hbm>>) target(%dma_start3A_130 : memref<32x1024xf32, #tpu.memory_space<vmem>>) offsets(%dma_start3A_131 : memref<32xi32, #tpu.memory_space<vmem>>) semaphore(%arg7 : memref<!tpu.dma_semaphore, #tpu.memory_space<semaphore_mem>>)
      %dma_wait3A_135 = arith.constant 1 : i32
      %dma_wait3A_136 = arith.constant 0 : i32
      %dma_wait3A_137 = arith.constant 0 : i32
      %dma_wait3A_138 = tpu.memref_slice %arg6[%dma_wait3A_135, %dma_wait3A_136, %dma_wait3A_137] : memref<2x32x1024xf32, #tpu.memory_space<vmem>> -> memref<1x32x1024xf32, #tpu.memory_space<vmem>>
      %dma_wait3A_139 = tpu.memref_squeeze %dma_wait3A_138 : memref<1x32x1024xf32, #tpu.memory_space<vmem>> -> memref<32x1024xf32, #tpu.memory_space<vmem>>
      %dma_wait3A_140 = arith.constant 0 : i32
      %dma_wait3A_141 = tpu.memref_slice %arg5[%dma_wait3A_140] : memref<512xi32, #tpu.memory_space<vmem>> -> memref<32xi32, #tpu.memory_space<vmem>>
      %dma_wait3A_142 = arith.constant 0 : i32
      %dma_wait3A_143 = arith.constant 0 : i32
      %dma_wait3A_144 = tpu.memref_slice %arg3[%dma_wait3A_142, %dma_wait3A_143] : memref<8192x1024xf32, #tpu.memory_space<hbm>> -> memref<8192x1024xf32, #tpu.memory_space<hbm>>
      tpu.wait_indirect_dma semaphore(%arg8 : memref<!tpu.dma_semaphore, #tpu.memory_space<semaphore_mem>>) src(%dma_wait3A_144 : memref<8192x1024xf32, #tpu.memory_space<hbm>>) dst(%dma_wait3A_139 : memref<32x1024xf32, #tpu.memory_space<vmem>>)
      %sub3A = arith.constant 1 : i32
      %sub3A_145 = arith.subi %mul3A_108, %sub3A : i32
      %mul3A_146 = arith.constant 32 : i32
      %mul3A_147 = arith.muli %sub3A_145, %mul3A_146 : i32
      %add3A_148 = arith.addi %mul3A_2, %mul3A_147 : i32
      %dma_start3A_149 = arith.constant 1 : i32
      %dma_start3A_150 = arith.constant 0 : i32
      %dma_start3A_151 = arith.constant 0 : i32
      %dma_start3A_152 = tpu.memref_slice %arg6[%dma_start3A_149, %dma_start3A_150, %dma_start3A_151] : memref<2x32x1024xf32, #tpu.memory_space<vmem>> -> memref<1x32x1024xf32, #tpu.memory_space<vmem>>
      %dma_start3A_153 = tpu.memref_squeeze %dma_start3A_152 : memref<1x32x1024xf32, #tpu.memory_space<vmem>> -> memref<32x1024xf32, #tpu.memory_space<vmem>>
      %dma_start3A_154 = arith.constant 0 : i32
      %dma_start3A_155 = tpu.memref_slice %arg4[%add3A_148, %dma_start3A_154] : memref<16384x1024xf32, #tpu.memory_space<hbm>> -> memref<32x1024xf32, #tpu.memory_space<hbm>>
      %dma_start3A_156 = arith.constant 0 : i32
      %dma_start3A_157 = tpu.memref_slice %arg4[%add3A_148, %dma_start3A_156] : memref<16384x1024xf32, #tpu.memory_space<hbm>> -> memref<32x1024xf32, #tpu.memory_space<hbm>>
      %dma_start3A_158 = arith.constant 0 : i32
      %dma_start3A_159 = arith.constant 0 : i32
      %dma_start3A_160 = tpu.memref_slice %arg6[%dma_start3A_149, %dma_start3A_158, %dma_start3A_159] : memref<2x32x1024xf32, #tpu.memory_space<vmem>> -> memref<1x32x1024xf32, #tpu.memory_space<vmem>>
      %dma_start3A_161 = tpu.memref_squeeze %dma_start3A_160 : memref<1x32x1024xf32, #tpu.memory_space<vmem>> -> memref<32x1024xf32, #tpu.memory_space<vmem>>
      tpu.enqueue_dma source(%dma_start3A_161 : memref<32x1024xf32, #tpu.memory_space<vmem>>) target(%dma_start3A_157 : memref<32x1024xf32, #tpu.memory_space<hbm>>) target_semaphore(%arg10 : memref<!tpu.dma_semaphore, #tpu.memory_space<semaphore_mem>>)
      %dma_wait3A_162 = arith.constant 1 : i32
      %dma_wait3A_163 = arith.constant 0 : i32
      %dma_wait3A_164 = arith.constant 0 : i32
      %dma_wait3A_165 = tpu.memref_slice %arg6[%dma_wait3A_162, %dma_wait3A_163, %dma_wait3A_164] : memref<2x32x1024xf32, #tpu.memory_space<vmem>> -> memref<1x32x1024xf32, #tpu.memory_space<vmem>>
      %dma_wait3A_166 = tpu.memref_squeeze %dma_wait3A_165 : memref<1x32x1024xf32, #tpu.memory_space<vmem>> -> memref<32x1024xf32, #tpu.memory_space<vmem>>
      %dma_wait3A_167 = arith.constant 0 : i32
      %dma_wait3A_168 = arith.constant 0 : i32
      %dma_wait3A_169 = tpu.memref_slice %arg4[%dma_wait3A_167, %dma_wait3A_168] : memref<16384x1024xf32, #tpu.memory_space<hbm>> -> memref<32x1024xf32, #tpu.memory_space<hbm>>
      %dma_wait3A_170 = arith.constant 0 : i32
      %dma_wait3A_171 = arith.constant 0 : i32
      %dma_wait3A_172 = tpu.memref_slice %arg4[%dma_wait3A_170, %dma_wait3A_171] : memref<16384x1024xf32, #tpu.memory_space<hbm>> -> memref<32x1024xf32, #tpu.memory_space<hbm>>
      %dma_wait3A_173 = arith.constant 0 : i32
      %dma_wait3A_174 = arith.constant 0 : i32
      %dma_wait3A_175 = tpu.memref_slice %arg6[%dma_wait3A_162, %dma_wait3A_173, %dma_wait3A_174] : memref<2x32x1024xf32, #tpu.memory_space<vmem>> -> memref<1x32x1024xf32, #tpu.memory_space<vmem>>
      %dma_wait3A_176 = tpu.memref_squeeze %dma_wait3A_175 : memref<1x32x1024xf32, #tpu.memory_space<vmem>> -> memref<32x1024xf32, #tpu.memory_space<vmem>>
      tpu.wait_dma2 semaphore(%arg10 : memref<!tpu.dma_semaphore, #tpu.memory_space<semaphore_mem>>) src(%dma_wait3A_176 : memref<32x1024xf32, #tpu.memory_space<vmem>>) dst(%dma_wait3A_172 : memref<32x1024xf32, #tpu.memory_space<hbm>>)
      %add3A_177 = arith.constant 1 : i32
      %add3A_178 = arith.addi %mul3A_108, %add3A_177 : i32
      %mul3A_179 = arith.constant 32 : i32
      %mul3A_180 = arith.muli %add3A_178, %mul3A_179 : i32
      %dma_start3A_181 = arith.constant 1 : i32
      %dma_start3A_182 = arith.constant 0 : i32
      %dma_start3A_183 = arith.constant 0 : i32
      %dma_start3A_184 = tpu.memref_slice %arg6[%dma_start3A_181, %dma_start3A_182, %dma_start3A_183] : memref<2x32x1024xf32, #tpu.memory_space<vmem>> -> memref<1x32x1024xf32, #tpu.memory_space<vmem>>
      %dma_start3A_185 = tpu.memref_squeeze %dma_start3A_184 : memref<1x32x1024xf32, #tpu.memory_space<vmem>> -> memref<32x1024xf32, #tpu.memory_space<vmem>>
      %dma_start3A_186 = tpu.memref_slice %arg5[%mul3A_180] : memref<512xi32, #tpu.memory_space<vmem>> -> memref<32xi32, #tpu.memory_space<vmem>>
      %dma_start3A_187 = arith.constant 0 : i32
      %dma_start3A_188 = arith.constant 0 : i32
      %dma_start3A_189 = tpu.memref_slice %arg3[%dma_start3A_187, %dma_start3A_188] : memref<8192x1024xf32, #tpu.memory_space<hbm>> -> memref<8192x1024xf32, #tpu.memory_space<hbm>>
      tpu.enqueue_indirect_dma source(%dma_start3A_189 : memref<8192x1024xf32, #tpu.memory_space<hbm>>) target(%dma_start3A_185 : memref<32x1024xf32, #tpu.memory_space<vmem>>) offsets(%dma_start3A_186 : memref<32xi32, #tpu.memory_space<vmem>>) semaphore(%arg8 : memref<!tpu.dma_semaphore, #tpu.memory_space<semaphore_mem>>)
      %dma_wait3A_190 = arith.constant 0 : i32
      %dma_wait3A_191 = arith.constant 0 : i32
      %dma_wait3A_192 = arith.constant 0 : i32
      %dma_wait3A_193 = tpu.memref_slice %arg6[%dma_wait3A_190, %dma_wait3A_191, %dma_wait3A_192] : memref<2x32x1024xf32, #tpu.memory_space<vmem>> -> memref<1x32x1024xf32, #tpu.memory_space<vmem>>
      %dma_wait3A_194 = tpu.memref_squeeze %dma_wait3A_193 : memref<1x32x1024xf32, #tpu.memory_space<vmem>> -> memref<32x1024xf32, #tpu.memory_space<vmem>>
      %dma_wait3A_195 = arith.constant 0 : i32
      %dma_wait3A_196 = tpu.memref_slice %arg5[%dma_wait3A_195] : memref<512xi32, #tpu.memory_space<vmem>> -> memref<32xi32, #tpu.memory_space<vmem>>
      %dma_wait3A_197 = arith.constant 0 : i32
      %dma_wait3A_198 = arith.constant 0 : i32
      %dma_wait3A_199 = tpu.memref_slice %arg3[%dma_wait3A_197, %dma_wait3A_198] : memref<8192x1024xf32, #tpu.memory_space<hbm>> -> memref<8192x1024xf32, #tpu.memory_space<hbm>>
      tpu.wait_indirect_dma semaphore(%arg7 : memref<!tpu.dma_semaphore, #tpu.memory_space<semaphore_mem>>) src(%dma_wait3A_199 : memref<8192x1024xf32, #tpu.memory_space<hbm>>) dst(%dma_wait3A_194 : memref<32x1024xf32, #tpu.memory_space<vmem>>)
      %mul3A_200 = arith.constant 32 : i32
      %mul3A_201 = arith.muli %mul3A_108, %mul3A_200 : i32
      %add3A_202 = arith.addi %mul3A_2, %mul3A_201 : i32
      %dma_start3A_203 = arith.constant 0 : i32
      %dma_start3A_204 = arith.constant 0 : i32
      %dma_start3A_205 = arith.constant 0 : i32
      %dma_start3A_206 = tpu.memref_slice %arg6[%dma_start3A_203, %dma_start3A_204, %dma_start3A_205] : memref<2x32x1024xf32, #tpu.memory_space<vmem>> -> memref<1x32x1024xf32, #tpu.memory_space<vmem>>
      %dma_start3A_207 = tpu.memref_squeeze %dma_start3A_206 : memref<1x32x1024xf32, #tpu.memory_space<vmem>> -> memref<32x1024xf32, #tpu.memory_space<vmem>>
      %dma_start3A_208 = arith.constant 0 : i32
      %dma_start3A_209 = tpu.memref_slice %arg4[%add3A_202, %dma_start3A_208] : memref<16384x1024xf32, #tpu.memory_space<hbm>> -> memref<32x1024xf32, #tpu.memory_space<hbm>>
      %dma_start3A_210 = arith.constant 0 : i32
      %dma_start3A_211 = tpu.memref_slice %arg4[%add3A_202, %dma_start3A_210] : memref<16384x1024xf32, #tpu.memory_space<hbm>> -> memref<32x1024xf32, #tpu.memory_space<hbm>>
      %dma_start3A_212 = arith.constant 0 : i32
      %dma_start3A_213 = arith.constant 0 : i32
      %dma_start3A_214 = tpu.memref_slice %arg6[%dma_start3A_203, %dma_start3A_212, %dma_start3A_213] : memref<2x32x1024xf32, #tpu.memory_space<vmem>> -> memref<1x32x1024xf32, #tpu.memory_space<vmem>>
      %dma_start3A_215 = tpu.memref_squeeze %dma_start3A_214 : memref<1x32x1024xf32, #tpu.memory_space<vmem>> -> memref<32x1024xf32, #tpu.memory_space<vmem>>
      tpu.enqueue_dma source(%dma_start3A_215 : memref<32x1024xf32, #tpu.memory_space<vmem>>) target(%dma_start3A_211 : memref<32x1024xf32, #tpu.memory_space<hbm>>) target_semaphore(%arg9 : memref<!tpu.dma_semaphore, #tpu.memory_space<semaphore_mem>>)
    }
    %scan3A_50 = arith.constant 7 : i32
    %dma_wait3A_51 = arith.constant 1 : i32
    %dma_wait3A_52 = arith.constant 0 : i32
    %dma_wait3A_53 = arith.constant 0 : i32
    %dma_wait3A_54 = tpu.memref_slice %arg6[%dma_wait3A_51, %dma_wait3A_52, %dma_wait3A_53] : memref<2x32x1024xf32, #tpu.memory_space<vmem>> -> memref<1x32x1024xf32, #tpu.memory_space<vmem>>
    %dma_wait3A_55 = tpu.memref_squeeze %dma_wait3A_54 : memref<1x32x1024xf32, #tpu.memory_space<vmem>> -> memref<32x1024xf32, #tpu.memory_space<vmem>>
    %dma_wait3A_56 = arith.constant 0 : i32
    %dma_wait3A_57 = tpu.memref_slice %arg5[%dma_wait3A_56] : memref<512xi32, #tpu.memory_space<vmem>> -> memref<32xi32, #tpu.memory_space<vmem>>
    %dma_wait3A_58 = arith.constant 0 : i32
    %dma_wait3A_59 = arith.constant 0 : i32
    %dma_wait3A_60 = tpu.memref_slice %arg3[%dma_wait3A_58, %dma_wait3A_59] : memref<8192x1024xf32, #tpu.memory_space<hbm>> -> memref<8192x1024xf32, #tpu.memory_space<hbm>>
    tpu.wait_indirect_dma semaphore(%arg8 : memref<!tpu.dma_semaphore, #tpu.memory_space<semaphore_mem>>) src(%dma_wait3A_60 : memref<8192x1024xf32, #tpu.memory_space<hbm>>) dst(%dma_wait3A_55 : memref<32x1024xf32, #tpu.memory_space<vmem>>)
    %add3A_61 = arith.constant 480 : i32
    %add3A_62 = arith.addi %mul3A_2, %add3A_61 : i32
    %dma_start3A_63 = arith.constant 1 : i32
    %dma_start3A_64 = arith.constant 0 : i32
    %dma_start3A_65 = arith.constant 0 : i32
    %dma_start3A_66 = tpu.memref_slice %arg6[%dma_start3A_63, %dma_start3A_64, %dma_start3A_65] : memref<2x32x1024xf32, #tpu.memory_space<vmem>> -> memref<1x32x1024xf32, #tpu.memory_space<vmem>>
    %dma_start3A_67 = tpu.memref_squeeze %dma_start3A_66 : memref<1x32x1024xf32, #tpu.memory_space<vmem>> -> memref<32x1024xf32, #tpu.memory_space<vmem>>
    %dma_start3A_68 = arith.constant 0 : i32
    %dma_start3A_69 = tpu.memref_slice %arg4[%add3A_62, %dma_start3A_68] : memref<16384x1024xf32, #tpu.memory_space<hbm>> -> memref<32x1024xf32, #tpu.memory_space<hbm>>
    %dma_start3A_70 = arith.constant 0 : i32
    %dma_start3A_71 = tpu.memref_slice %arg4[%add3A_62, %dma_start3A_70] : memref<16384x1024xf32, #tpu.memory_space<hbm>> -> memref<32x1024xf32, #tpu.memory_space<hbm>>
    %dma_start3A_72 = arith.constant 0 : i32
    %dma_start3A_73 = arith.constant 0 : i32
    %dma_start3A_74 = tpu.memref_slice %arg6[%dma_start3A_63, %dma_start3A_72, %dma_start3A_73] : memref<2x32x1024xf32, #tpu.memory_space<vmem>> -> memref<1x32x1024xf32, #tpu.memory_space<vmem>>
    %dma_start3A_75 = tpu.memref_squeeze %dma_start3A_74 : memref<1x32x1024xf32, #tpu.memory_space<vmem>> -> memref<32x1024xf32, #tpu.memory_space<vmem>>
    tpu.enqueue_dma source(%dma_start3A_75 : memref<32x1024xf32, #tpu.memory_space<vmem>>) target(%dma_start3A_71 : memref<32x1024xf32, #tpu.memory_space<hbm>>) target_semaphore(%arg10 : memref<!tpu.dma_semaphore, #tpu.memory_space<semaphore_mem>>)
    %dma_wait3A_76 = arith.constant 0 : i32
    %dma_wait3A_77 = arith.constant 0 : i32
    %dma_wait3A_78 = arith.constant 0 : i32
    %dma_wait3A_79 = tpu.memref_slice %arg6[%dma_wait3A_76, %dma_wait3A_77, %dma_wait3A_78] : memref<2x32x1024xf32, #tpu.memory_space<vmem>> -> memref<1x32x1024xf32, #tpu.memory_space<vmem>>
    %dma_wait3A_80 = tpu.memref_squeeze %dma_wait3A_79 : memref<1x32x1024xf32, #tpu.memory_space<vmem>> -> memref<32x1024xf32, #tpu.memory_space<vmem>>
    %dma_wait3A_81 = arith.constant 0 : i32
    %dma_wait3A_82 = arith.constant 0 : i32
    %dma_wait3A_83 = tpu.memref_slice %arg4[%dma_wait3A_81, %dma_wait3A_82] : memref<16384x1024xf32, #tpu.memory_space<hbm>> -> memref<32x1024xf32, #tpu.memory_space<hbm>>
    %dma_wait3A_84 = arith.constant 0 : i32
    %dma_wait3A_85 = arith.constant 0 : i32
    %dma_wait3A_86 = tpu.memref_slice %arg4[%dma_wait3A_84, %dma_wait3A_85] : memref<16384x1024xf32, #tpu.memory_space<hbm>> -> memref<32x1024xf32, #tpu.memory_space<hbm>>
    %dma_wait3A_87 = arith.constant 0 : i32
    %dma_wait3A_88 = arith.constant 0 : i32
    %dma_wait3A_89 = tpu.memref_slice %arg6[%dma_wait3A_76, %dma_wait3A_87, %dma_wait3A_88] : memref<2x32x1024xf32, #tpu.memory_space<vmem>> -> memref<1x32x1024xf32, #tpu.memory_space<vmem>>
    %dma_wait3A_90 = tpu.memref_squeeze %dma_wait3A_89 : memref<1x32x1024xf32, #tpu.memory_space<vmem>> -> memref<32x1024xf32, #tpu.memory_space<vmem>>
    tpu.wait_dma2 semaphore(%arg9 : memref<!tpu.dma_semaphore, #tpu.memory_space<semaphore_mem>>) src(%dma_wait3A_90 : memref<32x1024xf32, #tpu.memory_space<vmem>>) dst(%dma_wait3A_86 : memref<32x1024xf32, #tpu.memory_space<hbm>>)
    %dma_wait3A_91 = arith.constant 1 : i32
    %dma_wait3A_92 = arith.constant 0 : i32
    %dma_wait3A_93 = arith.constant 0 : i32
    %dma_wait3A_94 = tpu.memref_slice %arg6[%dma_wait3A_91, %dma_wait3A_92, %dma_wait3A_93] : memref<2x32x1024xf32, #tpu.memory_space<vmem>> -> memref<1x32x1024xf32, #tpu.memory_space<vmem>>
    %dma_wait3A_95 = tpu.memref_squeeze %dma_wait3A_94 : memref<1x32x1024xf32, #tpu.memory_space<vmem>> -> memref<32x1024xf32, #tpu.memory_space<vmem>>
    %dma_wait3A_96 = arith.constant 0 : i32
    %dma_wait3A_97 = arith.constant 0 : i32
    %dma_wait3A_98 = tpu.memref_slice %arg4[%dma_wait3A_96, %dma_wait3A_97] : memref<16384x1024xf32, #tpu.memory_space<hbm>> -> memref<32x1024xf32, #tpu.memory_space<hbm>>
    %dma_wait3A_99 = arith.constant 0 : i32
    %dma_wait3A_100 = arith.constant 0 : i32
    %dma_wait3A_101 = tpu.memref_slice %arg4[%dma_wait3A_99, %dma_wait3A_100] : memref<16384x1024xf32, #tpu.memory_space<hbm>> -> memref<32x1024xf32, #tpu.memory_space<hbm>>
    %dma_wait3A_102 = arith.constant 0 : i32
    %dma_wait3A_103 = arith.constant 0 : i32
    %dma_wait3A_104 = tpu.memref_slice %arg6[%dma_wait3A_91, %dma_wait3A_102, %dma_wait3A_103] : memref<2x32x1024xf32, #tpu.memory_space<vmem>> -> memref<1x32x1024xf32, #tpu.memory_space<vmem>>
    %dma_wait3A_105 = tpu.memref_squeeze %dma_wait3A_104 : memref<1x32x1024xf32, #tpu.memory_space<vmem>> -> memref<32x1024xf32, #tpu.memory_space<vmem>>
    tpu.wait_dma2 semaphore(%arg10 : memref<!tpu.dma_semaphore, #tpu.memory_space<semaphore_mem>>) src(%dma_wait3A_105 : memref<32x1024xf32, #tpu.memory_space<vmem>>) dst(%dma_wait3A_101 : memref<32x1024xf32, #tpu.memory_space<hbm>>)
    return
  }
}

</mosaic_0001>

<sc_bundles>
// kernel: kernel.3.cloned.1.call-start
scs
__scs_entry_jumppad:
0x0: {  	(pc) =	sbr.rel $0x88, $3  }
0x1: {  	(tag) =	ssettag $0x0;
	lr =	simm.s32 $0x1  }
0x2: {  	[smem:$0x3F9F] =	sst lr;
	_ =	strace $0xD0000000  }
0x3: {  	_ = 	snop  }
0x4: {  	_ = 	snop  }
0x5: {  	_ = 	snop  }
0x6: {  	_ = 	snop  }
0x7: {  	_ = 	snop  }
__scs_overlays_trampoline_lowered:
0x8: {  	[smem:$0x3FAE] =	sst s0  }
0x9: {  	[smem:$0x3FAF] =	sst s1  }
0xa: {  	[smem:$0x3FB0] =	sst s2  }
0xb: {  	[smem:$0x3FB1] =	sst s3  }
0xc: {  	[smem:$0x3FB2] =	sst s4  }
0xd: {  	[smem:$0x3FB3] =	sst s5  }
0xe: {  	[smem:$0x3FB4] =	sst s6  }
0xf: {  	[smem:$0x3FB5] =	sst s7  }
0x10: {  	[smem:$0x3FB6] =	sst s8  }
0x11: {  	[smem:$0x3FB7] =	sst s9;
	s0 =	simm.s32 @!p0 $0x0  }
0x12: {  	s1 =	sld [smem:$0x3F9D];
	s0 =	simm.s32 @p0 $0x1  }
0x13: {  	[smem:$0x3FB8] =	sst s0;
	s0 =	simm.s32 @!p1 $0x0  }
0x14: {  	s2 =	sld [smem:$0x3F9C];
	s0 =	simm.s32 @p1 $0x1  }
0x15: {  	[smem:$0x3FB9] =	sst s0;
	s0 =	simm.s32 @!p2 $0x0  }
0x16: {  	s3 =	sld [smem:$0x3FDB];
	s0 =	simm.s32 @p2 $0x1  }
0x17: {  	s4 =	simm.s32 $0x1BF5;
	[smem:$0x3FBB] =	sst s0  }
0x18: {  	s0 =	sld [smem:$0x3F9E];
	_ =	swait.ge [sflag:s4], $0x0  }
0x19: {  	s7 =	sld [smem:$0x3F9F]  }
0x1a: {  	s8 =	sadd.s32 $0xFFFFE003, lr  }
0x1b: {  	s9 =	sadd.s32 $0xFFFFFEF7, lr;
	s5 =	simm.s32 $0xFFFFFFFF;
	p2 =	slt.u32 s8, $0xFFFFF086  }
0x1c: {  	p1 =	slt.u32 s9, $0xF7A;
	s5 =	simm.s32 @!p2 $0x0  }
0x1d: {  	s5 =	simm.s32 @p1 $0x1;
	p0 =	seq.s32 s7, s2  }
0x1e: {  	s7 =	smul.u32 @!p0 $0xF7A, s2;
	p2 =	seq.s32 @!p0 s5, $0x0  }
0x1f: {  	s9 =	smul.u32 $0xF7A, s1;
	s8 =	simm.s32 @!p0 $0x1BF5;
	p2 =	por !p2, p0  }
0x20: {  	[sflag:s8] =	ssyncset.s32 @!p0 $0xFFFFF086;
	s6 =	sadd.s32 @!p0 s3, s7;
	s7 =	simm.s32 @!p0 $0x108  }
0x21: {  	s3 =	sadd.s32 s3, s9;
	s6 =	sadd.s32 @!p0 $0x88, s6;
	s7 =	simm.s32 @p2 $0x1082  }
0x22: {  	[simem:s7], [sflag:s8] =	dma.local @!p0 [hbm:s6], $0xF7A  }
0x23: {  	s9 =	sor.u32 $0xD0000000, s2;
	s6 =	simm.s32 $0x108;
	_ =	swait.ge @!p0 [sflag:s8], $0x0  }
0x24: {  	s3 =	sadd.s32 $0x88, s3;
	s6 =	simm.s32 @!p1 $0x1082;
	[sflag:s4] =	ssyncset.s32 $0xFFFFF086  }
0x25: {  	[simem:s6], [sflag:s4] =	dma.local [hbm:s3], $0xF7A  }
0x26: {  	[smem:$0x3F9F] =	sst s1;
	(tag) =	ssettag s2;
	_ =	strace s9  }
0x27: {  	s1 =	sld [smem:$0x3FAF]  }
0x28: {  	s2 =	sld [smem:$0x3FB0]  }
0x29: {  	s4 =	sld [smem:$0x3FB2]  }
0x2a: {  	p0 =	seq.s32 s5, $0x0;
	s5 =	sld [smem:$0x3FB3]  }
0x2b: {  	s6 =	sld [smem:$0x3FB4]  }
0x2c: {  	s7 =	sld [smem:$0x3FB5]  }
0x2d: {  	s3 =	simm.s32 $0x108;
	s8 =	sld [smem:$0x3FB6]  }
0x2e: {  	s3 =	simm.s32 @!p0 $0x1082;
	s9 =	sld [smem:$0x3FB7]  }
0x2f: {  	lr =	sadd.s32 s0, s3;
	s0 =	sld [smem:$0x3FAE]  }
0x30: {  	s3 =	sld [smem:$0x3FB1]  }
0x31: {  	[smem:$0x3FBA] =	sst s10  }
0x32: {  	s10 =	sld [smem:$0x3FB8];
	_ =	sdelay $0x3  }
0x33: {  	p0 =	seq.s32 s10, $0x1;
	s10 =	sld [smem:$0x3FBA];
	_ =	sdelay $0x3  }
0x34: {  	[smem:$0x3FBA] =	sst s10  }
0x35: {  	s10 =	sld [smem:$0x3FB9];
	_ =	sdelay $0x3  }
0x36: {  	p1 =	seq.s32 s10, $0x1;
	s10 =	sld [smem:$0x3FBA];
	_ =	sdelay $0x3  }
0x37: {  	[smem:$0x3FBA] =	sst s10  }
0x38: {  	s10 =	sld [smem:$0x3FBB]  }
0x39: {  	_ = 	snop;
	(pc) =	sbr.ind lr, $3  }
0x3a: {  	_ = 	snop  }
0x3b: {  	_ = 	snop  }
0x3c: {  	p2 =	seq.s32 s10, $0x1;
	s10 =	sld [smem:$0x3FBA]  }
0x3d: {  	_ =	shalt  }
0x3e: {  	_ =	shalt  }
0x3f: {  	_ =	shalt  }
0x40: {  	_ =	shalt  }
0x41: {  	_ =	shalt  }
0x42: {  	_ =	shalt  }
0x43: {  	_ =	shalt  }
0x44: {  	_ =	shalt  }
0x45: {  	_ =	shalt  }
0x46: {  	_ =	shalt  }
0x47: {  	_ =	shalt  }
0x48: {  	_ =	shalt  }
0x49: {  	_ =	shalt  }
0x4a: {  	_ =	shalt  }
0x4b: {  	_ =	shalt  }
0x4c: {  	_ =	shalt  }
0x4d: {  	_ =	shalt  }
0x4e: {  	_ =	shalt  }
0x4f: {  	_ =	shalt  }
0x50: {  	_ =	shalt  }
0x51: {  	_ =	shalt  }
0x52: {  	_ =	shalt  }
0x53: {  	_ =	shalt  }
0x54: {  	_ =	shalt  }
0x55: {  	_ =	shalt  }
0x56: {  	_ =	shalt  }
0x57: {  	_ =	shalt  }
0x58: {  	_ =	shalt  }
0x59: {  	_ =	shalt  }
0x5a: {  	_ =	shalt  }
0x5b: {  	_ =	shalt  }
0x5c: {  	_ =	shalt  }
0x5d: {  	_ =	shalt  }
0x5e: {  	_ =	shalt  }
0x5f: {  	_ =	shalt  }
0x60: {  	_ =	shalt  }
0x61: {  	_ =	shalt  }
0x62: {  	_ =	shalt  }
0x63: {  	_ =	shalt  }
0x64: {  	_ =	shalt  }
0x65: {  	_ =	shalt  }
0x66: {  	_ =	shalt  }
0x67: {  	_ =	shalt  }
0x68: {  	_ =	shalt  }
0x69: {  	_ =	shalt  }
0x6a: {  	_ =	shalt  }
0x6b: {  	_ =	shalt  }
0x6c: {  	_ =	shalt  }
0x6d: {  	_ =	shalt  }
0x6e: {  	_ =	shalt  }
0x6f: {  	_ =	shalt  }
0x70: {  	_ =	shalt  }
0x71: {  	_ =	shalt  }
0x72: {  	_ =	shalt  }
0x73: {  	_ =	shalt  }
0x74: {  	_ =	shalt  }
0x75: {  	_ =	shalt  }
0x76: {  	_ =	shalt  }
0x77: {  	_ =	shalt  }
0x78: {  	_ =	shalt  }
0x79: {  	_ =	shalt  }
0x7a: {  	_ =	shalt  }
0x7b: {  	_ =	shalt  }
0x7c: {  	_ =	shalt  }
0x7d: {  	_ =	shalt  }
0x7e: {  	_ =	shalt  }
0x7f: {  	_ =	shalt  }
0x80: {  	_ =	shalt  }
0x81: {  	_ =	shalt  }
0x82: {  	_ =	shalt  }
0x83: {  	_ =	shalt  }
0x84: {  	_ =	shalt  }
0x85: {  	_ =	shalt  }
0x86: {  	_ =	shalt  }
0x87: {  	_ =	shalt  }
.Lfunc_end0:
.L_simem_size_0:
called_computation_lowered:
.L_overlay_start_0:
0x88: {  	s2 =	sld [smem:$0x3FD9]  }
0x89: {  	s3 =	sld [smem:$0x3FFE];
	_ =	sdelay $0x1  }
0x8a: {  	s1 =	srdreg.scid  }
0x8b: {  	s0 =	sand.u32 $0x1, s1  }
0x8c: {  	s18 =	sshll.u32 s0, $0xA;
	s2 =	sadd.s32 s3, s2  }
0x8d: {  	s2 =	sadd.s32 s2, s18  }
0x8e: {  	[smem:$0x3FC6] =	sst s2  }
0x8f: {  	_ = 	snop  }
0x90: {  	s2 =	sld [smem:$0x3FC9]  }
0x91: {  	s19 =	sld [smem:$0x3FC8]  }
0x92: {  	s4 =	sld [smem:$0x3FD0];
	(tm) =	ssettm $0x1  }
0x93: {  	s5 =	sld [smem:$0x3FFB];
	_ =	sdelay $0x3  }
0x94: {  	_ =	strace s5  }
0x95: {  	s5 =	sld [smem:$0x3FFC];
	_ =	sdelay $0x3  }
0x96: {  	_ =	strace s5  }
0x97: {  	s5 =	sld [smem:$0x3FFD];
	_ =	sdelay $0x3  }
0x98: {  	_ =	strace s5  }
0x99: {  	_ =	strace $0x8FFFFFFF  }
0x9a: {  	s20 =	sld [smem:$0x3FDB];
	_ =	sdelay $0x1  }
0x9b: {  	s6 =	simm.s32 $_scs_section_size  }
0x9c: {  	s7 =	simm.s32 $_size__tile_overlayer_lowered;
	s8 =	simm.s32 $_tile_overlayer_lowered  }
0x9d: {  	s23 =	simm.s32 $0x1BFF;
	s22 =	sshll.u32 s8, $0x1;
	s5 =	sadd.s32 s6, s20  }
0x9e: {  	s9 =	simm.s32 $0x0;
	s21 =	sshll.u32 s7, $0x1;
	s7 =	sadd.s32 s22, s5  }
0x9f: {  	[timem:s9], [sflag:s23] =	dma.local [hbm:s7], s21  }
0xa0: {  	_ =	swait.ge [sflag:s23], s21  }
0xa1: {  	s6 =	ssub.s32 $0x0, s21;
	[sflag:s23] =	ssyncset.done $0x0  }
0xa2: {  	[sflag:s23] =	ssyncadd.s32 s6;
	_ =	sdelay $0x1  }
0xa3: {  	s24 =	simm.s32 $0x1B8B  }
0xa4: {  	_ =	swait.ge [sflag:s24], $0x1  }
0xa5: {  	[sflag:s24] =	ssyncset.done $0x0  }
0xa6: {  	s25 =	simm.s32 $0x1B8E;
	[sflag:s24] =	ssyncadd.s32 $0xFFFFFFFF  }
0xa7: {  	s26 =	simm.s32 $execute0_lowered;
	[smem:$0x3FD2] =	sst s25  }
0xa8: {  	s6 =	sshll.u32 s26, $0x1;
	_ =	strace $0x80000046;
	[dreg:$0x1] =	wrdreg $0xFFFFFFFF  }
0xa9: {  	s28 =	simm.s32 $_size_execute0_lowered;
	s5 =	sadd.s32 s5, s6;
	[dreg:$0x0] =	wrdreg $0x0  }
0xaa: {  	s6 =	sshll.u32 s28, $0x1;
	[dreg:$0x2] =	wrdreg s5  }
0xab: {  	[dreg:$0x3] =	wrdreg s6  }
0xac: {  	[dreg:$0x4] =	wrdreg $0xC0  }
0xad: {  	_ =	task [dreg:s9], $0x5FFFF  }
0xae: {  	[dreg:$0x1] =	wrdreg $0xFFFFFFFF  }
0xaf: {  	[dreg:$0x0] =	wrdreg $0x60  }
0xb0: {  	[dreg:$0x2] =	wrdreg s2  }
0xb1: {  	[dreg:$0x3] =	wrdreg s19  }
0xb2: {  	[dreg:$0x4] =	wrdreg s4  }
0xb3: {  	[dreg:$0x5] =	wrdreg $0x9  }
0xb4: {  	_ =	task.clear_ibuf [dreg:s9], $0x6FFFF;
	_ =	strace $0x90000046  }
0xb5: {  	s29 =	simm.s32 $0x9;
	_ =	strace $0x80000048  }
0xb6: {  	_ =	swait.ge [sflag:s29], $0x1  }
0xb7: {  	[sflag:s29] =	ssyncadd.s32 $0xFFFFFFFF  }
0xb8: {  	_ =	strace $0x90000048  }
0xb9: {  	_ =	sfence  }
0xba: {  	s30 =	sld [smem:$0x0];
	_ =	sdelay $0x2  }
0xbb: {  	s31 =	sshll.u32 s1, $0xD;
	s1 =	sshrl.u32 s1, $0x2  }
0xbc: {  	s3 =	sand.u32 $0x4000, s31;
	s1 =	sadd.s32 s1, s30  }
0xbd: {  	s0 =	sor.u32 s3, s0;
	s1 =	sshll.u32 s1, $0x11  }
0xbe: {  	s0 =	sor.u32 s1, s0  }
0xbf: {  	s0 =	sadd.s32 $0x8F2B, s0  }
0xc0: {  	[sflag:s0] =	ssyncadd.remote.s32 $0x1  }
0xc1: {  	_ =	sfence.sel $0xFFFF  }
0xc2: {  	[dreg:$0x0] =	wrdreg $0xFFFFFFFF;
	(pc) =	sbr.abs _section_cstart, $3  }
0xc3: {  	[dreg:$0x1] =	wrdreg $0xFFFFFFFF  }
0xc4: {  	_ =	task.clear_ibuf [dreg:s9], $0x2FFFF;
	_ =	strace $0x9FFFFFFF  }
0xc5: {  	(tm) =	ssettm $0x7FFFFFFF  }
tec
execute0_lowered:
.L_overlay_start_1:
0x0: {  	(tag) =	ssettag $0x1  }
0x1: {  	s0 =	rddreg [dreg:$0x0]  }
0x2: {  	s1 =	rddreg [dreg:$0x1]  }
0x3: {  	s2 =	rddreg [dreg:$0x2]  }
0x4: {  	s4 =	srdreg.scid;
	s3 =	simm.s32 $0x0;
	s10 =	stileid.u32  }
0x5: {  	s31 =	simm.s32 $0x200;
	s28 =	simm.s32 $0x2200;
	s30 =	simm.s32 $0x2A00  }
0x6: {  	s29 =	simm.s32 $0x3200;
	s11 =	simm.s32 $0x6200;
	s13 =	simm.s32 $0x6A00  }
0x7: {  	s14 =	simm.s32 $0x7200;
	s15 =	simm.s32 $0x7A00;
	s16 =	simm.s32 $0x8A00  }
0x8: {  	s17 =	simm.s32 $0x9200;
	s18 =	simm.s32 $0x9A00;
	s12 =	simm.s32 $0xA200  }
0x9: {  	s4 =	sand.u32 $0x1, s4;
	s6 =	sshll.u32 s10, $0xA;
	[smem:$0x7FF] =	sst s3  }
0xa: {  	s21 =	sshll.u32 s10, $0x11;
	s10 =	simm.s32 $0x5200;
	s5 =	ssub.s32 $0x2, s4  }
0xb: {  	s7 =	sshll.u32 s4, $0x9;
	_ =	strace $0x80000047;
	s23 =	sadd.s32 s21, s2  }
0xc: {  	s24 =	sshll.u32 s4, $0x10;
	s4 =	simm.s32 $0x4200;
	s21 =	simm.s32 $0x2  }
0xd: {  	s8 =	sshrl.u32 s5, $0x1;
	s9 =	sor.u32 s7, s6;
	s6 =	sadd.s32 $0x200, s1  }
0xe: {  	s7 =	sadd.s32 $0x300, s1;
	s8 =	ssub.s32 s5, s8;
	s19 =	sshrl.u32 s9, $0x3  }
0xf: {  	s5 =	sadd.s32 $0x100, s1;
	s20 =	sshll.u32 s9, $0x7;
	s9 =	simm.s32 $0x4A00  }
0x10: {  	s0 =	sadd.s32 s0, s19;
	s22 =	sadd.s32 s2, s20;
	s26 =	smax.u32 s8, $0x1  }
0x11: {  	s2 =	simm.s32 $0x3A00;
	s8 =	simm.s32 $0x5A00;
	[dreg:$0x5] =	wrdreg s0  }
0x12: {  	s19 =	simm.s32 $0x1;
	s20 =	simm.s32 $0x3;
	[dreg:$0x6] =	wrdreg s22  }
0x13: {  	s25 =	sadd.s32 $0xF000, s22;
	[dreg:$0x8] =	wrdreg s26;
	s0 =	sadd.s32 s24, s23  }
0x14: {  	v2 =	vlaneseq.u32;
	s26 =	simm.s32 $0x1200;
	s24 =	simm.s32 $0x1A00;
	[dreg:$0x7] =	wrdreg s25  }
0x15: {  	vm0 =	vmmov $0xffff;
	v1 =	vshrl.u32 v2, $0x3;
	s22 =	simm.s32 $0x4;
	s23 =	simm.s32 $0x0;
	[dreg:$0x4] =	wrdreg s0  }
0x16: {  	v0 =	vand.u32 $0x7, v2;
	v2 =	vor.u32 $0x8, v2;
	v1 =	vmul.u32 $0x8, v1;
	s25 =	simm.s32 $0xA00;
	s0 =	simm.s32 $0x8200;
	[dreg:$0x9] =	wrdreg s23  }
.LBB2_1:
0x17: {  	s23 =	rddreg [dreg:$0x5]  }
0x18: {  	[tilespmem:s3], [sflag:$0x5] =	stream.linear.gather [hbm4b:s23+s3], $0x200, $0x38;
	[tilespmem:$0x10200] =	vst v63  }
0x19: {  	s23 =	simm.s32 $0x5  }
0x1a: {  	_ =	swait.ge [sflag:s23], $0x200  }
0x1b: {  	[sflag:s23] =	ssyncset.done $0x0  }
0x1c: {  	[sflag:s23] =	ssyncadd.s32 $0xFFFFFE00  }
0x1d: {  	v3 =	vld [tilespmem:$0x0];
	_ =	sdelay $0x4  }
0x1e: {  	v4 =	vshll.u32 v3, $0x3  }
0x1f: {  	v3 =	vand.u32 $0x7, v3;
	v4 =	vand.u32 $0xFFFFFFC0, v4  }
0x20: {  	v3 =	vor.u32 v3, v4  }
0x21: {  	v4 =	vperm.xlane v3, v0;
	_ =	sdelay $0x1  }
0x22: {  	v4 =	vadd.s32 v1, v4;
	_ =	sdelay $0x4  }
0x23: {  	[tilespmem:s31], [sflag:$0x1] =	stream.indirect_vreg.gather [hbm4b:s1+s3], $0x80, v4, vm0, $0xb8;
	[tilespmem:$0x10200] =	vst v63  }
0x24: {  	v3 =	vperm.xlane v3, v2  }
0x25: {  	[tilespmem:s25], [sflag:$0x1] =	stream.indirect_vreg.gather [hbm4b:s5+s3], $0x80, v4, vm0, $0xb8;
	[tilespmem:$0x10200] =	vst v63  }
0x26: {  	v3 =	vadd.s32 v1, v3  }
0x27: {  	[tilespmem:s26], [sflag:$0x1] =	stream.indirect_vreg.gather [hbm4b:s6+s3], $0x80, v4, vm0, $0xb8;
	[tilespmem:$0x10200] =	vst v63  }
0x28: {  	_ = 	snop  }
0x29: {  	[tilespmem:s24], [sflag:$0x1] =	stream.indirect_vreg.gather [hbm4b:s7+s3], $0x80, v4, vm0, $0xb8;
	[tilespmem:$0x10200] =	vst v63  }
0x2a: {  	_ = 	snop  }
0x2b: {  	[tilespmem:s28], [sflag:$0x1] =	stream.indirect_vreg.gather [hbm4b:s1+s3], $0x80, v3, vm0, $0xb8;
	[tilespmem:$0x10200] =	vst v63  }
0x2c: {  	_ = 	snop  }
0x2d: {  	[tilespmem:s30], [sflag:$0x1] =	stream.indirect_vreg.gather [hbm4b:s5+s3], $0x80, v3, vm0, $0xb8;
	[tilespmem:$0x10200] =	vst v63  }
0x2e: {  	_ = 	snop  }
0x2f: {  	[tilespmem:s29], [sflag:$0x1] =	stream.indirect_vreg.gather [hbm4b:s6+s3], $0x80, v3, vm0, $0xb8;
	[tilespmem:$0x10200] =	vst v63  }
0x30: {  	_ = 	snop  }
0x31: {  	[tilespmem:s2], [sflag:$0x1] =	stream.indirect_vreg.gather [hbm4b:s7+s3], $0x80, v3, vm0, $0xb8;
	[tilespmem:$0x10200] =	vst v63  }
0x32: {  	v3 =	vld [tilespmem:$0x10];
	_ =	sdelay $0x4  }
0x33: {  	v61 =	vshll.u32 v3, $0x3  }
0x34: {  	v3 =	vand.u32 $0x7, v3;
	v4 =	vand.u32 $0xFFFFFFC0, v61  }
0x35: {  	v3 =	vor.u32 v3, v4  }
0x36: {  	v4 =	vperm.xlane v3, v0;
	_ =	sdelay $0x1  }
0x37: {  	v4 =	vadd.s32 v1, v4;
	_ =	sdelay $0x4  }
0x38: {  	[tilespmem:s4], [sflag:$0x1] =	stream.indirect_vreg.gather [hbm4b:s1+s3], $0x80, v4, vm0, $0xb8;
	[tilespmem:$0x10200] =	vst v63  }
0x39: {  	v3 =	vperm.xlane v3, v2  }
0x3a: {  	[tilespmem:s9], [sflag:$0x1] =	stream.indirect_vreg.gather [hbm4b:s5+s3], $0x80, v4, vm0, $0xb8;
	[tilespmem:$0x10200] =	vst v63  }
0x3b: {  	v3 =	vadd.s32 v1, v3  }
0x3c: {  	[tilespmem:s10], [sflag:$0x1] =	stream.indirect_vreg.gather [hbm4b:s6+s3], $0x80, v4, vm0, $0xb8;
	[tilespmem:$0x10200] =	vst v63  }
0x3d: {  	_ = 	snop  }
0x3e: {  	[tilespmem:s8], [sflag:$0x1] =	stream.indirect_vreg.gather [hbm4b:s7+s3], $0x80, v4, vm0, $0xb8;
	[tilespmem:$0x10200] =	vst v63  }
0x3f: {  	_ = 	snop  }
0x40: {  	[tilespmem:s11], [sflag:$0x1] =	stream.indirect_vreg.gather [hbm4b:s1+s3], $0x80, v3, vm0, $0xb8;
	[tilespmem:$0x10200] =	vst v63  }
0x41: {  	_ = 	snop  }
0x42: {  	[tilespmem:s13], [sflag:$0x1] =	stream.indirect_vreg.gather [hbm4b:s5+s3], $0x80, v3, vm0, $0xb8;
	[tilespmem:$0x10200] =	vst v63  }
0x43: {  	_ = 	snop  }
0x44: {  	[tilespmem:s14], [sflag:$0x1] =	stream.indirect_vreg.gather [hbm4b:s6+s3], $0x80, v3, vm0, $0xb8;
	[tilespmem:$0x10200] =	vst v63  }
0x45: {  	_ = 	snop  }
0x46: {  	[tilespmem:s15], [sflag:$0x1] =	stream.indirect_vreg.gather [hbm4b:s7+s3], $0x80, v3, vm0, $0xb8;
	[tilespmem:$0x10200] =	vst v63  }
0x47: {  	v3 =	vld [tilespmem:$0x20];
	_ =	sdelay $0x4  }
0x48: {  	v62 =	vshll.u32 v3, $0x3  }
0x49: {  	v3 =	vand.u32 $0x7, v3;
	v4 =	vand.u32 $0xFFFFFFC0, v62  }
0x4a: {  	v3 =	vor.u32 v3, v4  }
0x4b: {  	v4 =	vperm.xlane v3, v0;
	_ =	sdelay $0x1  }
0x4c: {  	v4 =	vadd.s32 v1, v4;
	_ =	sdelay $0x4  }
0x4d: {  	[tilespmem:s0], [sflag:$0x2] =	stream.indirect_vreg.gather [hbm4b:s1+s3], $0x80, v4, vm0, $0xb8;
	[tilespmem:$0x10200] =	vst v63  }
0x4e: {  	v3 =	vperm.xlane v3, v2  }
0x4f: {  	[tilespmem:s16], [sflag:$0x2] =	stream.indirect_vreg.gather [hbm4b:s5+s3], $0x80, v4, vm0, $0xb8;
	[tilespmem:$0x10200] =	vst v63  }
0x50: {  	v3 =	vadd.s32 v1, v3  }
0x51: {  	[tilespmem:s17], [sflag:$0x2] =	stream.indirect_vreg.gather [hbm4b:s6+s3], $0x80, v4, vm0, $0xb8;
	[tilespmem:$0x10200] =	vst v63  }
0x52: {  	_ = 	snop  }
0x53: {  	[tilespmem:s18], [sflag:$0x2] =	stream.indirect_vreg.gather [hbm4b:s7+s3], $0x80, v4, vm0, $0xb8;
	[tilespmem:$0x10200] =	vst v63  }
0x54: {  	_ = 	snop  }
0x55: {  	[tilespmem:s12], [sflag:$0x2] =	stream.indirect_vreg.gather [hbm4b:s1+s3], $0x80, v3, vm0, $0xb8;
	[tilespmem:$0x10200] =	vst v63  }
0x56: {  	s10 =	simm.s32 $0xAA00  }
0x57: {  	[tilespmem:s10], [sflag:$0x2] =	stream.indirect_vreg.gather [hbm4b:s5+s3], $0x80, v3, vm0, $0xb8;
	[tilespmem:$0x10200] =	vst v63  }
0x58: {  	s11 =	simm.s32 $0xB200  }
0x59: {  	[tilespmem:s11], [sflag:$0x2] =	stream.indirect_vreg.gather [hbm4b:s6+s3], $0x80, v3, vm0, $0xb8;
	[tilespmem:$0x10200] =	vst v63  }
0x5a: {  	s12 =	simm.s32 $0xBA00  }
0x5b: {  	[tilespmem:s12], [sflag:$0x2] =	stream.indirect_vreg.gather [hbm4b:s7+s3], $0x80, v3, vm0, $0xb8;
	[tilespmem:$0x10200] =	vst v63  }
0x5c: {  	v3 =	vld [tilespmem:$0x30];
	_ =	sdelay $0x4  }
0x5d: {  	v63 =	vshll.u32 v3, $0x3  }
0x5e: {  	v3 =	vand.u32 $0x7, v3;
	v4 =	vand.u32 $0xFFFFFFC0, v63  }
0x5f: {  	v3 =	vor.u32 v3, v4  }
0x60: {  	v4 =	vperm.xlane v3, v0;
	_ =	sdelay $0x1  }
0x61: {  	v4 =	vadd.s32 v1, v4;
	_ =	sdelay $0x3  }
0x62: {  	s13 =	simm.s32 $0xC200  }
0x63: {  	[tilespmem:s13], [sflag:$0x2] =	stream.indirect_vreg.gather [hbm4b:s1+s3], $0x80, v4, vm0, $0xb8;
	[tilespmem:$0x10200] =	vst v63  }
0x64: {  	s14 =	simm.s32 $0xCA00;
	v3 =	vperm.xlane v3, v2  }
0x65: {  	[tilespmem:s14], [sflag:$0x2] =	stream.indirect_vreg.gather [hbm4b:s5+s3], $0x80, v4, vm0, $0xb8;
	[tilespmem:$0x10200] =	vst v63  }
0x66: {  	s15 =	simm.s32 $0xD200;
	v3 =	vadd.s32 v1, v3  }
0x67: {  	[tilespmem:s15], [sflag:$0x2] =	stream.indirect_vreg.gather [hbm4b:s6+s3], $0x80, v4, vm0, $0xb8;
	[tilespmem:$0x10200] =	vst v63  }
0x68: {  	s23 =	simm.s32 $0xF200;
	s24 =	simm.s32 $0xFA00;
	s16 =	simm.s32 $0xDA00  }
0x69: {  	[tilespmem:s16], [sflag:$0x2] =	stream.indirect_vreg.gather [hbm4b:s7+s3], $0x80, v4, vm0, $0xb8;
	[tilespmem:$0x10200] =	vst v63  }
0x6a: {  	s28 =	simm.s32 $0x1A00;
	s29 =	simm.s32 $0x200;
	s17 =	simm.s32 $0xE200  }
0x6b: {  	[tilespmem:s17], [sflag:$0x2] =	stream.indirect_vreg.gather [hbm4b:s1+s3], $0x80, v3, vm0, $0xb8;
	[tilespmem:$0x10200] =	vst v63  }
0x6c: {  	s2 =	simm.s32 $0x3A00;
	s4 =	simm.s32 $0x4200;
	s18 =	simm.s32 $0xEA00  }
0x6d: {  	[tilespmem:s18], [sflag:$0x2] =	stream.indirect_vreg.gather [hbm4b:s5+s3], $0x80, v3, vm0, $0xb8;
	[tilespmem:$0x10200] =	vst v63  }
0x6e: {  	s9 =	simm.s32 $0x4A00;
	s8 =	simm.s32 $0x5A00;
	s10 =	simm.s32 $0x5200  }
0x6f: {  	[tilespmem:s23], [sflag:$0x2] =	stream.indirect_vreg.gather [hbm4b:s6+s3], $0x80, v3, vm0, $0xb8;
	[tilespmem:$0x10200] =	vst v63  }
0x70: {  	s11 =	simm.s32 $0x6200;
	s12 =	simm.s32 $0xA200;
	s13 =	simm.s32 $0x6A00  }
0x71: {  	[tilespmem:s24], [sflag:$0x2] =	stream.indirect_vreg.gather [hbm4b:s7+s3], $0x80, v3, vm0, $0xb8;
	[tilespmem:$0x10200] =	vst v63  }
0x72: {  	s14 =	simm.s32 $0x7200;
	s15 =	simm.s32 $0x7A00;
	_ =	swait.ge [sflag:s19], $0x8000  }
0x73: {  	s16 =	simm.s32 $0x8A00;
	s17 =	simm.s32 $0x9200;
	[sflag:s19] =	ssyncset.done $0x0  }
0x74: {  	s18 =	simm.s32 $0x9A00;
	s30 =	rddreg [dreg:$0x6];
	[sflag:s19] =	ssyncadd.s32 $0xFFFF8000  }
0x75: {  	[hbm4b:s30+s3] =	stream.linear.scatter [tilespmem:s31], [sflag:$0x3], $0x8000, $0x38;
	[tilespmem:$0x10200] =	vst v63  }
0x76: {  	s23 =	simm.s32 $0xFFFF2000;
	s24 =	simm.s32 $0x70;
	s31 =	simm.s32 $0x2A00  }
.LBB2_2:
0x77: {  	_ =	swait.ge [sflag:s20], $0x8000  }
0x78: {  	[sflag:s20] =	ssyncset.done $0x0  }
0x79: {  	[sflag:s20] =	ssyncadd.s32 $0xFFFF8000  }
0x7a: {  	v3 =	vld [tilespmem:s24+$0xFFFFFFD0];
	_ =	sdelay $0x4  }
0x7b: {  	v4 =	vshll.u32 v3, $0x3  }
0x7c: {  	v3 =	vand.u32 $0x7, v3;
	v4 =	vand.u32 $0xFFFFFFC0, v4  }
0x7d: {  	v3 =	vor.u32 v3, v4  }
0x7e: {  	v4 =	vperm.xlane v3, v0;
	_ =	sdelay $0x1  }
0x7f: {  	v4 =	vadd.s32 v1, v4;
	_ =	sdelay $0x4  }
0x80: {  	[tilespmem:s29], [sflag:$0x1] =	stream.indirect_vreg.gather [hbm4b:s1+s3], $0x80, v4, vm0, $0xb8;
	[tilespmem:$0x10200] =	vst v63  }
0x81: {  	v3 =	vperm.xlane v3, v2  }
0x82: {  	[tilespmem:s25], [sflag:$0x1] =	stream.indirect_vreg.gather [hbm4b:s5+s3], $0x80, v4, vm0, $0xb8;
	[tilespmem:$0x10200] =	vst v63  }
0x83: {  	v3 =	vadd.s32 v1, v3  }
0x84: {  	[tilespmem:s26], [sflag:$0x1] =	stream.indirect_vreg.gather [hbm4b:s6+s3], $0x80, v4, vm0, $0xb8;
	[tilespmem:$0x10200] =	vst v63  }
0x85: {  	_ = 	snop  }
0x86: {  	[tilespmem:s28], [sflag:$0x1] =	stream.indirect_vreg.gather [hbm4b:s7+s3], $0x80, v4, vm0, $0xb8;
	[tilespmem:$0x10200] =	vst v63  }
0x87: {  	s0 =	simm.s32 $0x2200  }
0x88: {  	[tilespmem:s0], [sflag:$0x1] =	stream.indirect_vreg.gather [hbm4b:s1+s3], $0x80, v3, vm0, $0xb8;
	[tilespmem:$0x10200] =	vst v63  }
0x89: {  	_ = 	snop  }
0x8a: {  	[tilespmem:s31], [sflag:$0x1] =	stream.indirect_vreg.gather [hbm4b:s5+s3], $0x80, v3, vm0, $0xb8;
	[tilespmem:$0x10200] =	vst v63  }
0x8b: {  	s26 =	simm.s32 $0x3200  }
0x8c: {  	[tilespmem:s26], [sflag:$0x1] =	stream.indirect_vreg.gather [hbm4b:s6+s3], $0x80, v3, vm0, $0xb8;
	[tilespmem:$0x10200] =	vst v63  }
0x8d: {  	_ = 	snop  }
0x8e: {  	[tilespmem:s2], [sflag:$0x1] =	stream.indirect_vreg.gather [hbm4b:s7+s3], $0x80, v3, vm0, $0xb8;
	[tilespmem:$0x10200] =	vst v63  }
0x8f: {  	v3 =	vld [tilespmem:s24+$0xFFFFFFE0];
	_ =	sdelay $0x4  }
0x90: {  	v61 =	vshll.u32 v3, $0x3  }
0x91: {  	v3 =	vand.u32 $0x7, v3;
	v4 =	vand.u32 $0xFFFFFFC0, v61  }
0x92: {  	v3 =	vor.u32 v3, v4  }
0x93: {  	v4 =	vperm.xlane v3, v0;
	_ =	sdelay $0x1  }
0x94: {  	v4 =	vadd.s32 v1, v4;
	_ =	sdelay $0x4  }
0x95: {  	[tilespmem:s4], [sflag:$0x1] =	stream.indirect_vreg.gather [hbm4b:s1+s3], $0x80, v4, vm0, $0xb8;
	[tilespmem:$0x10200] =	vst v63  }
0x96: {  	v3 =	vperm.xlane v3, v2  }
0x97: {  	[tilespmem:s9], [sflag:$0x1] =	stream.indirect_vreg.gather [hbm4b:s5+s3], $0x80, v4, vm0, $0xb8;
	[tilespmem:$0x10200] =	vst v63  }
0x98: {  	v3 =	vadd.s32 v1, v3  }
0x99: {  	[tilespmem:s10], [sflag:$0x1] =	stream.indirect_vreg.gather [hbm4b:s6+s3], $0x80, v4, vm0, $0xb8;
	[tilespmem:$0x10200] =	vst v63  }
0x9a: {  	_ = 	snop  }
0x9b: {  	[tilespmem:s8], [sflag:$0x1] =	stream.indirect_vreg.gather [hbm4b:s7+s3], $0x80, v4, vm0, $0xb8;
	[tilespmem:$0x10200] =	vst v63  }
0x9c: {  	_ = 	snop  }
0x9d: {  	[tilespmem:s11], [sflag:$0x1] =	stream.indirect_vreg.gather [hbm4b:s1+s3], $0x80, v3, vm0, $0xb8;
	[tilespmem:$0x10200] =	vst v63  }
0x9e: {  	_ = 	snop  }
0x9f: {  	[tilespmem:s13], [sflag:$0x1] =	stream.indirect_vreg.gather [hbm4b:s5+s3], $0x80, v3, vm0, $0xb8;
	[tilespmem:$0x10200] =	vst v63  }
0xa0: {  	_ = 	snop  }
0xa1: {  	[tilespmem:s14], [sflag:$0x1] =	stream.indirect_vreg.gather [hbm4b:s6+s3], $0x80, v3, vm0, $0xb8;
	[tilespmem:$0x10200] =	vst v63  }
0xa2: {  	_ = 	snop  }
0xa3: {  	[tilespmem:s15], [sflag:$0x1] =	stream.indirect_vreg.gather [hbm4b:s7+s3], $0x80, v3, vm0, $0xb8;
	[tilespmem:$0x10200] =	vst v63  }
0xa4: {  	_ =	swait.ge [sflag:s21], $0x8000  }
0xa5: {  	s30 =	rddreg [dreg:$0x4]  }
0xa6: {  	[sflag:s21] =	ssyncset.done $0x0;
	s25 =	sadd.s32 s23, s30  }
0xa7: {  	[sflag:s21] =	ssyncadd.s32 $0xFFFF8000;
	s30 =	simm.s32 $0x8200;
	s0 =	sadd.s32 $0xF000, s25  }
0xa8: {  	[hbm4b:s0+s3] =	stream.linear.scatter [tilespmem:s30], [sflag:$0x4], $0x8000, $0x38;
	[tilespmem:$0x10200] =	vst v63  }
0xa9: {  	_ =	swait.ge [sflag:s22], $0x8000  }
0xaa: {  	[sflag:s22] =	ssyncset.done $0x0  }
0xab: {  	[sflag:s22] =	ssyncadd.s32 $0xFFFF8000  }
0xac: {  	v3 =	vld [tilespmem:s24+$0xFFFFFFF0];
	_ =	sdelay $0x4  }
0xad: {  	v62 =	vshll.u32 v3, $0x3  }
0xae: {  	v3 =	vand.u32 $0x7, v3;
	v4 =	vand.u32 $0xFFFFFFC0, v62  }
0xaf: {  	v3 =	vor.u32 v3, v4  }
0xb0: {  	v4 =	vperm.xlane v3, v0;
	_ =	sdelay $0x1  }
0xb1: {  	v4 =	vadd.s32 v1, v4;
	_ =	sdelay $0x4  }
0xb2: {  	[tilespmem:s30], [sflag:$0x2] =	stream.indirect_vreg.gather [hbm4b:s1+s3], $0x80, v4, vm0, $0xb8;
	[tilespmem:$0x10200] =	vst v63  }
0xb3: {  	v3 =	vperm.xlane v3, v2  }
0xb4: {  	[tilespmem:s16], [sflag:$0x2] =	stream.indirect_vreg.gather [hbm4b:s5+s3], $0x80, v4, vm0, $0xb8;
	[tilespmem:$0x10200] =	vst v63  }
0xb5: {  	v3 =	vadd.s32 v1, v3  }
0xb6: {  	[tilespmem:s17], [sflag:$0x2] =	stream.indirect_vreg.gather [hbm4b:s6+s3], $0x80, v4, vm0, $0xb8;
	[tilespmem:$0x10200] =	vst v63  }
0xb7: {  	_ = 	snop  }
0xb8: {  	[tilespmem:s18], [sflag:$0x2] =	stream.indirect_vreg.gather [hbm4b:s7+s3], $0x80, v4, vm0, $0xb8;
	[tilespmem:$0x10200] =	vst v63  }
0xb9: {  	_ = 	snop  }
0xba: {  	[tilespmem:s12], [sflag:$0x2] =	stream.indirect_vreg.gather [hbm4b:s1+s3], $0x80, v3, vm0, $0xb8;
	[tilespmem:$0x10200] =	vst v63  }
0xbb: {  	s30 =	simm.s32 $0xAA00  }
0xbc: {  	[tilespmem:s30], [sflag:$0x2] =	stream.indirect_vreg.gather [hbm4b:s5+s3], $0x80, v3, vm0, $0xb8;
	[tilespmem:$0x10200] =	vst v63  }
0xbd: {  	s30 =	simm.s32 $0xB200  }
0xbe: {  	[tilespmem:s30], [sflag:$0x2] =	stream.indirect_vreg.gather [hbm4b:s6+s3], $0x80, v3, vm0, $0xb8;
	[tilespmem:$0x10200] =	vst v63  }
0xbf: {  	s30 =	simm.s32 $0xBA00  }
0xc0: {  	[tilespmem:s30], [sflag:$0x2] =	stream.indirect_vreg.gather [hbm4b:s7+s3], $0x80, v3, vm0, $0xb8;
	[tilespmem:$0x10200] =	vst v63  }
0xc1: {  	v3 =	vld [tilespmem:s24+$0x0];
	_ =	sdelay $0x4  }
0xc2: {  	v63 =	vshll.u32 v3, $0x3  }
0xc3: {  	v3 =	vand.u32 $0x7, v3;
	v4 =	vand.u32 $0xFFFFFFC0, v63  }
0xc4: {  	v3 =	vor.u32 v3, v4  }
0xc5: {  	v4 =	vperm.xlane v3, v0;
	_ =	sdelay $0x1  }
0xc6: {  	v4 =	vadd.s32 v1, v4;
	_ =	sdelay $0x3  }
0xc7: {  	s30 =	simm.s32 $0xC200  }
0xc8: {  	[tilespmem:s30], [sflag:$0x2] =	stream.indirect_vreg.gather [hbm4b:s1+s3], $0x80, v4, vm0, $0xb8;
	[tilespmem:$0x10200] =	vst v63  }
0xc9: {  	v3 =	vperm.xlane v3, v2;
	s30 =	simm.s32 $0xCA00  }
0xca: {  	[tilespmem:s30], [sflag:$0x2] =	stream.indirect_vreg.gather [hbm4b:s5+s3], $0x80, v4, vm0, $0xb8;
	[tilespmem:$0x10200] =	vst v63  }
0xcb: {  	v3 =	vadd.s32 v1, v3;
	s30 =	simm.s32 $0xD200  }
0xcc: {  	[tilespmem:s30], [sflag:$0x2] =	stream.indirect_vreg.gather [hbm4b:s6+s3], $0x80, v4, vm0, $0xb8;
	[tilespmem:$0x10200] =	vst v63  }
0xcd: {  	s30 =	simm.s32 $0xDA00  }
0xce: {  	[tilespmem:s30], [sflag:$0x2] =	stream.indirect_vreg.gather [hbm4b:s7+s3], $0x80, v4, vm0, $0xb8;
	[tilespmem:$0x10200] =	vst v63  }
0xcf: {  	s30 =	simm.s32 $0xE200  }
0xd0: {  	[tilespmem:s30], [sflag:$0x2] =	stream.indirect_vreg.gather [hbm4b:s1+s3], $0x80, v3, vm0, $0xb8;
	[tilespmem:$0x10200] =	vst v63  }
0xd1: {  	s30 =	simm.s32 $0xEA00  }
0xd2: {  	[tilespmem:s30], [sflag:$0x2] =	stream.indirect_vreg.gather [hbm4b:s5+s3], $0x80, v3, vm0, $0xb8;
	[tilespmem:$0x10200] =	vst v63  }
0xd3: {  	s30 =	simm.s32 $0xF200  }
0xd4: {  	[tilespmem:s30], [sflag:$0x2] =	stream.indirect_vreg.gather [hbm4b:s6+s3], $0x80, v3, vm0, $0xb8;
	[tilespmem:$0x10200] =	vst v63  }
0xd5: {  	p0 =	sne.s32 s23, $0xFFFFE000;
	s30 =	simm.s32 $0xFA00  }
0xd6: {  	[tilespmem:s30], [sflag:$0x2] =	stream.indirect_vreg.gather [hbm4b:s7+s3], $0x80, v3, vm0, $0xb8;
	[tilespmem:$0x10200] =	vst v63  }
.Ltmp0:
0xd7: {  	_ =	swait.ge [sflag:s19], $0x8000;
	(pc) =	sbr.rel @p0 .LBB2_2-.Ltmp0, $4  }
0xd8: {  	s26 =	simm.s32 $0x1200;
	[sflag:s19] =	ssyncset.done $0x0  }
0xd9: {  	s23 =	sadd.s32 $0x2000, s23;
	s25 =	sadd.s32 $0x10000, s25;
	[sflag:s19] =	ssyncadd.s32 $0xFFFF8000  }
0xda: {  	[hbm4b:s25+s3] =	stream.linear.scatter [tilespmem:s29], [sflag:$0x3], $0x8000, $0x38;
	[tilespmem:$0x10200] =	vst v63  }
0xdb: {  	s0 =	simm.s32 $0x8200;
	s24 =	sadd.s32 $0x40, s24;
	s25 =	simm.s32 $0xA00  }
0xdc: {  	_ =	swait.ge [sflag:s21], $0x8000  }
0xdd: {  	[sflag:s21] =	ssyncset.done $0x0  }
0xde: {  	s23 =	rddreg [dreg:$0x7];
	[sflag:s21] =	ssyncadd.s32 $0xFFFF8000  }
0xdf: {  	[hbm4b:s23+s3] =	stream.linear.scatter [tilespmem:s0], [sflag:$0x4], $0x8000, $0x38;
	[tilespmem:$0x10200] =	vst v63  }
0xe0: {  	_ =	swait.ge [sflag:s20], $0x8000  }
0xe1: {  	[sflag:s20] =	ssyncset.done $0x0  }
0xe2: {  	[sflag:s20] =	ssyncadd.s32 $0xFFFF8000  }
0xe3: {  	s28 =	simm.s32 $0x2200;
	s30 =	simm.s32 $0x2A00;
	_ =	swait.ge [sflag:s22], $0x8000  }
0xe4: {  	s29 =	simm.s32 $0x3200;
	s4 =	simm.s32 $0x4200;
	s2 =	rddreg [dreg:$0x9]  }
0xe5: {  	s9 =	simm.s32 $0x4A00;
	s24 =	rddreg [dreg:$0x8];
	s2 =	sadd.s32 $0x1, s2  }
0xe6: {  	s10 =	simm.s32 $0x5200;
	s8 =	simm.s32 $0x5A00;
	p0 =	sne.s32 s2, s24  }
.Ltmp1:
0xe7: {  	s11 =	simm.s32 $0x6200;
	s13 =	simm.s32 $0x6A00;
	(pc) =	sbr.rel @p0 .LBB2_1-.Ltmp1, $4  }
0xe8: {  	s14 =	simm.s32 $0x7200;
	s15 =	simm.s32 $0x7A00;
	s16 =	simm.s32 $0x8A00  }
0xe9: {  	s17 =	simm.s32 $0x9200;
	s18 =	simm.s32 $0x9A00;
	[sflag:s22] =	ssyncset.done $0x0  }
0xea: {  	s12 =	simm.s32 $0xA200;
	s31 =	simm.s32 $0x200;
	[sflag:s22] =	ssyncadd.s32 $0xFFFF8000  }
0xeb: {  	[dreg:$0x9] =	wrdreg s2;
	s24 =	simm.s32 $0x1A00;
	s2 =	simm.s32 $0x3A00  }
0xec: {  	_ =	sfence.sel $0x180000  }
0xed: {  	[bflag:$0x0] =	sbarrier.arrive $0xFFFF  }
0xee: {  	_ =	strace $0x90000047  }
0xef: {  	s0 =	stileid.u32;
	[bflag:$0x2] =	sbarrier.arrive $0xFFFF  }
0xf0: {  	p0 =	sne.s32 s0, $0x0;
	s0 =	rddreg [dreg:$0x3]  }
0xf1: {  	s0 =	sadd.s32 @!p0 $0x100000, s0  }
0xf2: {  	[sflag:s0] =	ssyncadd.tile.s32 @!p0 $0x1;
	_ =	shalt  }
.Lfunc_end2:
_tile_overlayer_lowered:
.L_overlay_start_2:
0xf3: {  	(tag) =	ssettag $0x2  }
0xf4: {  	s0 =	rddreg [dreg:$0x0];
	s2 =	stileid.u32  }
0xf5: {  	s1 =	rddreg [dreg:$0x1];
	p0 =	sne.s32 s2, $0x0  }
0xf6: {  	s3 =	rddreg [dreg:$0x2];
	[bflag:$0x3] =	sbarrier.arrive $0xFFFF;
	s2 =	simm.s32 @!p0 $0x1C05  }
0xf7: {  	[timem:s3], [sflag:s2] =	dma.local @!p0 [hbm:s0], s1  }
0xf8: {  	s0 =	simm.s32 @!p0 $0x5  }
0xf9: {  	_ =	swait.ge @!p0 [sflag:s0], s1  }
0xfa: {  	s1 =	ssub.s32 @!p0 $0x0, s1;
	[sflag:s0] =	ssyncset.done @!p0 $0x0  }
0xfb: {  	[sflag:s0] =	ssyncadd.s32 @!p0 s1  }
0xfc: {  	[bflag:$0x3] =	sbarrier.arrive $0xFFFF  }
0xfd: {  	_ =	shalt  }

</sc_bundles>
